<compile_context>
chip_gen: v7x
topology: tpu7x:2x2x1
jax: 0.10.2.dev20260603
libtpu: 0.0.44.dev20260713+nightly
codegen_flags: <defaults>
</compile_context>

<pallas_src>
import jax
import jax.numpy as jnp
from jax import lax
from jax.experimental import pallas as pl
from jax.experimental.pallas import tpu as pltpu
from jax.experimental.pallas import tpu_sc as plsc

_NC = 2
_NS = 16
_NW = _NC * _NS
_CHUNK = 128
_LANES = 128
_TP_W = 4096


_TP_REM = 512


def _tp_body(x_ref, tail_ref, sel_ref, o_ref):
    c = pl.program_id(0)
    n = pl.num_programs(0)
    dim = x_ref.shape[0]

    def xpose_mxu(x):
        g = x.shape[1] // 4
        acc = None
        for k in range(4):
            xk = x[:, g * k:g * (k + 1)]
            sk = sel_ref[:, _LANES * k:_LANES * (k + 1)]
            t = lax.dot_general(
                xk, sk, (((0,), (0,)), ((), ())),
                preferred_element_type=jnp.float32)
            acc = t if acc is None else acc + t
        return acc

    @pl.when(c < n - 1)
    def _():
        o_ref[...] = xpose_mxu(x_ref[...])

    @pl.when(c == n - 1)
    def _():
        g = _TP_REM // 4
        o_ref[pl.ds(0, g), :] = xpose_mxu(x_ref[:, pl.ds(0, _TP_REM)])
        t = tail_ref[...]
        gt = t.shape[0] // 4
        for k in range(4):
            o_ref[pl.ds(g, gt), pl.ds(dim * k, dim)] = t[gt * k:gt * (k + 1), :]


def _pack_table(tableT, tail):
    dim, n_users = tableT.shape
    grid = (n_users + _TP_W - 1) // _TP_W
    lane = jnp.arange(4 * _LANES, dtype=jnp.int32)
    row = jnp.arange(dim, dtype=jnp.int32)[:, None]
    sel = (lane[None, :] % _LANES == dim * (lane[None, :] // _LANES) + row)
    sel = sel.astype(jnp.float32)
    return pl.pallas_call(
        _tp_body,
        grid=(grid,),
        in_specs=[
            pl.BlockSpec((dim, _TP_W), lambda i: (0, i)),
            pl.BlockSpec(tail.shape, lambda i: (0, 0)),
            pl.BlockSpec(sel.shape, lambda i: (0, 0)),
        ],
        out_specs=pl.BlockSpec((_TP_W // 4, _LANES), lambda i: (i, 0)),
        out_shape=jax.ShapeDtypeStruct((n_users // 4, _LANES), jnp.float32),
        compiler_params=pltpu.CompilerParams(
            dimension_semantics=("parallel",)),
    )(tableT, tail, sel)


def _sc_gather_body(idx_hbm, table_hbm, out_hbm, idx_v, rows_v, sem):
    wid = lax.axis_index("s") * _NC + lax.axis_index("c")
    n_chunks = idx_v.shape[0]
    rows_per_w = n_chunks * _CHUNK
    pltpu.sync_copy(idx_hbm.at[wid], idx_v)
    copies = [
        pltpu.async_copy(
            table_hbm.at[idx_v.at[c]],
            rows_v.at[pl.ds(c * _CHUNK, _CHUNK)],
            sem,
        )
        for c in range(n_chunks)
    ]
    for cp in copies:
        cp.wait()
    pltpu.sync_copy(rows_v, out_hbm.at[pl.ds(wid * rows_per_w, rows_per_w)])


def _sc_gather_lines(line_idx, table2):
    batch = line_idx.shape[0]
    rows_per_w = batch // _NW
    n_chunks = rows_per_w // _CHUNK
    idx3 = line_idx.reshape(_NW, n_chunks, _CHUNK)
    mesh = plsc.VectorSubcoreMesh(core_axis_name="c", subcore_axis_name="s")
    gather = pl.kernel(
        _sc_gather_body,
        out_type=jax.ShapeDtypeStruct((batch, _LANES), jnp.float32),
        mesh=mesh,
        scratch_types=[
            pltpu.VMEM((n_chunks, _CHUNK), jnp.int32),
            pltpu.VMEM((rows_per_w, _LANES), jnp.float32),
            pltpu.SemaphoreType.DMA,
        ],
    )
    return gather(idx3, table2)


def _tc_body(ul_ref, sub_ref, tm_ref, ts_ref, wu_ref, mc_ref, wt_ref, o_ref):
    dim = wu_ref.shape[0]
    lines = ul_ref[...]
    sub = sub_ref[0, 0, :][:, None]
    u = lines[:, 3 * dim:4 * dim]
    for k in (2, 1, 0):
        u = jnp.where(sub == k, lines[:, k * dim:(k + 1) * dim], u)
    tm = tm_ref[0, 0, :]
    n_modes = mc_ref.shape[0]
    onehot = (
        tm[:, None] == lax.broadcasted_iota(jnp.int32, (1, n_modes), 1)
    ).astype(jnp.float32)
    acc = jnp.dot(u, wu_ref[...], preferred_element_type=jnp.float32)
    acc += jnp.dot(onehot, mc_ref[...], preferred_element_type=jnp.float32)
    acc += jnp.dot(ts_ref[...], wt_ref[...], preferred_element_type=jnp.float32)
    o_ref[...] = acc


def kernel(user_id, transport_mode, timestamp, user_table, mode_table,
           W_time, b_time, W_pref, b_pref):
    batch = user_id.shape[0]
    dim = user_table.shape[1]
    out_dim = W_pref.shape[0]
    n_modes = mode_table.shape[0]
    t_in = timestamp.shape[1]
    per_line = _LANES // dim

    Wu = W_pref[:, :dim]
    Wm = W_pref[:, dim:2 * dim]
    Wt = W_pref[:, 2 * dim:3 * dim]
    mode_lut = mode_table @ Wm.T + b_pref + b_time @ Wt.T
    t_pad = 8
    W_ts = jnp.zeros((t_pad, out_dim), jnp.float32).at[:t_in].set((Wt @ W_time).T)
    ts_pad = jnp.zeros((batch, t_pad), jnp.float32).at[:, :t_in].set(timestamp)

    uid = user_id.astype(jnp.int32)
    n_users = user_table.shape[0]
    n_chunks = n_users // _TP_W
    main_lim = n_chunks * _TP_W
    dma_lim = main_lim + _TP_REM
    table2 = _pack_table(user_table.T, user_table[dma_lim:, :])

    g_main, g_rem = _TP_W // 4, _TP_REM // 4
    g_tail = (n_users - dma_lim) // 4
    c = uid // _TP_W
    p = uid % _TP_W
    q1 = uid - main_lim
    q2 = uid - dma_lim
    line_idx = jnp.where(
        uid < main_lim, g_main * c + p % g_main,
        jnp.where(uid < dma_lim, n_chunks * g_main + q1 % g_rem,
                  n_chunks * g_main + g_rem + q2 % g_tail))
    sub = jnp.where(
        uid < main_lim, p // g_main,
        jnp.where(uid < dma_lim, q1 // g_rem, q2 // g_tail))
    user_lines = _sc_gather_lines(line_idx, table2)

    blk = 2048
    n_blk = batch // blk
    sub3 = sub.reshape(n_blk, 1, blk)
    tm3 = transport_mode.astype(jnp.int32).reshape(n_blk, 1, blk)

    return pl.pallas_call(
        _tc_body,
        grid=(n_blk,),
        in_specs=[
            pl.BlockSpec((blk, _LANES), lambda i: (i, 0)),
            pl.BlockSpec((1, 1, blk), lambda i: (i, 0, 0)),
            pl.BlockSpec((1, 1, blk), lambda i: (i, 0, 0)),
            pl.BlockSpec((blk, t_pad), lambda i: (i, 0)),
            pl.BlockSpec((dim, out_dim), lambda i: (0, 0)),
            pl.BlockSpec((n_modes, out_dim), lambda i: (0, 0)),
            pl.BlockSpec((t_pad, out_dim), lambda i: (0, 0)),
        ],
        out_specs=pl.BlockSpec((blk, out_dim), lambda i: (i, 0)),
        out_shape=jax.ShapeDtypeStruct((batch, out_dim), jnp.float32),
    )(user_lines, sub3, tm3, ts_pad, Wu.T, mode_lut, W_ts)

# --- scband reference (transcript-rebuilt; emitter-appended) ---
"""Pipeline reference for scband-preferences-embedding-model-50783693308053 (READ-ONLY COPY).

The authoritative reference and input builder live on the scoring server;
editing this copy changes nothing except your own understanding.
"""

import jax, jax.numpy as jnp
import numpy as np

NUM_USERS = 1000000
NUM_MODES = 16
SINGLE_DIM = 32
PREF_DIM = 64
BATCH = 16384

def setup_inputs(seed: int = 0) -> dict:
    key = jax.random.key(seed)
    ks = jax.random.split(key, 8)
    user_id = jax.random.randint(ks[0], (BATCH,), 0, NUM_USERS, dtype=jnp.int64 if jax.config.jax_enable_x64 else jnp.int32)
    transport_mode = jax.random.randint(ks[1], (BATCH,), 0, NUM_MODES, dtype=jnp.int64 if jax.config.jax_enable_x64 else jnp.int32)
    timestamp = jax.random.normal(ks[2], (BATCH, 6), dtype=jnp.float32)
    # xavier_uniform for embeddings (fan_in=vocab, fan_out=dim per torch semantics)
    def xavier(k, shape):
        fan_in, fan_out = shape[1], shape[0]
        # torch xavier on weight [out, in]: bound = sqrt(6/(fan_in+fan_out)) with (fan_in=shape[1], fan_out=shape[0])
        bound = np.sqrt(6.0 / (shape[0] + shape[1]))
        return jax.random.uniform(k, shape, dtype=jnp.float32, minval=-bound, maxval=bound)
    user_table = xavier(ks[3], (NUM_USERS, SINGLE_DIM))
    mode_table = xavier(ks[4], (NUM_MODES, SINGLE_DIM))
    W_time = xavier(ks[5], (SINGLE_DIM, 6))
    b_time = jnp.zeros((SINGLE_DIM,), dtype=jnp.float32)
    W_pref = xavier(ks[6], (PREF_DIM, 3 * SINGLE_DIM))
    b_pref = jnp.zeros((PREF_DIM,), dtype=jnp.float32)
    return {
        "user_id": user_id,
        "transport_mode": transport_mode,
        "timestamp": timestamp,
        "user_table": user_table,
        "mode_table": mode_table,
        "W_time": W_time,
        "b_time": b_time,
        "W_pref": W_pref,
        "b_pref": b_pref,
    }

def reference(user_id, transport_mode, timestamp, user_table, mode_table, W_time, b_time, W_pref, b_pref):
    user_embedded = jnp.take(user_table, user_id, axis=0)
    mode_embedded = jnp.take(mode_table, transport_mode, axis=0)
    time_embedded = timestamp @ W_time.T + b_time
    pref = jnp.concatenate((user_embedded, mode_embedded, time_embedded), axis=1)
    pref = pref @ W_pref.T + b_pref
    return pref

if __name__ == "__main__":
    import jax
    _d = setup_inputs()
    print(jax.jit(kernel)(*tuple(_d.values())))

</pallas_src>

<mosaic_0001>
#map = affine_map<(d0, d1) -> (0, 0, 0)>
#map1 = affine_map<(d0, d1) -> (0, 0)>
module attributes {stable_mosaic.version = 14 : i64} {
  func.func @_sc_gather_body(%arg0: i32, %arg1: i32, %arg2: memref<32x4x128xi32, #tpu.memory_space<hbm>>, %arg3: memref<250000x128xf32, #tpu.memory_space<hbm>>, %arg4: memref<16384x128xf32, #tpu.memory_space<hbm>>, %arg5: memref<4x128xi32, #tpu.memory_space<vmem>>, %arg6: memref<512x128xf32, #tpu.memory_space<vmem>>, %arg7: memref<!tpu.dma_semaphore, #tpu.memory_space<semaphore_mem>>) attributes {dimension_semantics = [#tpu.dimension_semantics<core_parallel>, #tpu.dimension_semantics<subcore_parallel>], iteration_bounds = array<i64: 2, 16>, scalar_prefetch = 0 : i64, scratch_operands = 3 : i64, tpu.core_type = #tpu.core_type<sc_vector_subcore>, window_params = [{transform_indices = #map}, {transform_indices = #map1}, {transform_indices = #map1}]} {
    %mul3A = arith.constant 2 : i32
    %mul3A_0 = arith.muli %arg1, %mul3A : i32
    %add3A = arith.addi %mul3A_0, %arg0 : i32
    "tpu.region"() ({
      %run_scoped3A = tpu.sem_alloc : memref<!tpu.dma_semaphore, #tpu.memory_space<semaphore_mem>>
      %dma_start3A_81 = arith.constant 0 : i32
      %dma_start3A_82 = arith.constant 0 : i32
      %dma_start3A_83 = tpu.memref_slice %arg2[%add3A, %dma_start3A_81, %dma_start3A_82] : memref<32x4x128xi32, #tpu.memory_space<hbm>> -> memref<1x4x128xi32, #tpu.memory_space<hbm>>
      %dma_start3A_84 = tpu.memref_squeeze %dma_start3A_83 : memref<1x4x128xi32, #tpu.memory_space<hbm>> -> memref<4x128xi32, #tpu.memory_space<hbm>>
      %dma_start3A_85 = arith.constant 0 : i32
      %dma_start3A_86 = arith.constant 0 : i32
      %dma_start3A_87 = tpu.memref_slice %arg2[%add3A, %dma_start3A_85, %dma_start3A_86] : memref<32x4x128xi32, #tpu.memory_space<hbm>> -> memref<1x4x128xi32, #tpu.memory_space<hbm>>
      %dma_start3A_88 = tpu.memref_squeeze %dma_start3A_87 : memref<1x4x128xi32, #tpu.memory_space<hbm>> -> memref<4x128xi32, #tpu.memory_space<hbm>>
      tpu.enqueue_dma source(%dma_start3A_88 : memref<4x128xi32, #tpu.memory_space<hbm>>) target(%arg5 : memref<4x128xi32, #tpu.memory_space<vmem>>) target_semaphore(%run_scoped3A : memref<!tpu.dma_semaphore, #tpu.memory_space<semaphore_mem>>)
      %dma_wait3A_89 = arith.constant 0 : i32
      %dma_wait3A_90 = arith.constant 0 : i32
      %dma_wait3A_91 = tpu.memref_slice %arg2[%add3A, %dma_wait3A_89, %dma_wait3A_90] : memref<32x4x128xi32, #tpu.memory_space<hbm>> -> memref<1x4x128xi32, #tpu.memory_space<hbm>>
      %dma_wait3A_92 = tpu.memref_squeeze %dma_wait3A_91 : memref<1x4x128xi32, #tpu.memory_space<hbm>> -> memref<4x128xi32, #tpu.memory_space<hbm>>
      %dma_wait3A_93 = arith.constant 0 : i32
      %dma_wait3A_94 = arith.constant 0 : i32
      %dma_wait3A_95 = tpu.memref_slice %arg2[%add3A, %dma_wait3A_93, %dma_wait3A_94] : memref<32x4x128xi32, #tpu.memory_space<hbm>> -> memref<1x4x128xi32, #tpu.memory_space<hbm>>
      %dma_wait3A_96 = tpu.memref_squeeze %dma_wait3A_95 : memref<1x4x128xi32, #tpu.memory_space<hbm>> -> memref<4x128xi32, #tpu.memory_space<hbm>>
      tpu.wait_dma2 semaphore(%run_scoped3A : memref<!tpu.dma_semaphore, #tpu.memory_space<semaphore_mem>>) src(%dma_wait3A_96 : memref<4x128xi32, #tpu.memory_space<hbm>>) dst(%arg5 : memref<4x128xi32, #tpu.memory_space<vmem>>)
      tpu.yield
    }) : () -> ()
    %dma_start3A = arith.constant 0 : i32
    %dma_start3A_1 = arith.constant 0 : i32
    %dma_start3A_2 = arith.constant 0 : i32
    %dma_start3A_3 = tpu.memref_slice %arg6[%dma_start3A_1, %dma_start3A_2] : memref<512x128xf32, #tpu.memory_space<vmem>> -> memref<128x128xf32, #tpu.memory_space<vmem>>
    %dma_start3A_4 = arith.constant 0 : i32
    %dma_start3A_5 = tpu.memref_slice %arg5[%dma_start3A, %dma_start3A_4] : memref<4x128xi32, #tpu.memory_space<vmem>> -> memref<1x128xi32, #tpu.memory_space<vmem>>
    %dma_start3A_6 = tpu.memref_squeeze %dma_start3A_5 : memref<1x128xi32, #tpu.memory_space<vmem>> -> memref<128xi32, #tpu.memory_space<vmem>>
    %dma_start3A_7 = arith.constant 0 : i32
    %dma_start3A_8 = arith.constant 0 : i32
    %dma_start3A_9 = tpu.memref_slice %arg3[%dma_start3A_7, %dma_start3A_8] : memref<250000x128xf32, #tpu.memory_space<hbm>> -> memref<250000x128xf32, #tpu.memory_space<hbm>>
    tpu.enqueue_indirect_dma source(%dma_start3A_9 : memref<250000x128xf32, #tpu.memory_space<hbm>>) target(%dma_start3A_3 : memref<128x128xf32, #tpu.memory_space<vmem>>) offsets(%dma_start3A_6 : memref<128xi32, #tpu.memory_space<vmem>>) semaphore(%arg7 : memref<!tpu.dma_semaphore, #tpu.memory_space<semaphore_mem>>)
    %dma_start3A_10 = arith.constant 1 : i32
    %dma_start3A_11 = arith.constant 128 : i32
    %dma_start3A_12 = arith.constant 0 : i32
    %dma_start3A_13 = tpu.memref_slice %arg6[%dma_start3A_11, %dma_start3A_12] : memref<512x128xf32, #tpu.memory_space<vmem>> -> memref<128x128xf32, #tpu.memory_space<vmem>>
    %dma_start3A_14 = arith.constant 0 : i32
    %dma_start3A_15 = tpu.memref_slice %arg5[%dma_start3A_10, %dma_start3A_14] : memref<4x128xi32, #tpu.memory_space<vmem>> -> memref<1x128xi32, #tpu.memory_space<vmem>>
    %dma_start3A_16 = tpu.memref_squeeze %dma_start3A_15 : memref<1x128xi32, #tpu.memory_space<vmem>> -> memref<128xi32, #tpu.memory_space<vmem>>
    %dma_start3A_17 = arith.constant 0 : i32
    %dma_start3A_18 = arith.constant 0 : i32
    %dma_start3A_19 = tpu.memref_slice %arg3[%dma_start3A_17, %dma_start3A_18] : memref<250000x128xf32, #tpu.memory_space<hbm>> -> memref<250000x128xf32, #tpu.memory_space<hbm>>
    tpu.enqueue_indirect_dma source(%dma_start3A_19 : memref<250000x128xf32, #tpu.memory_space<hbm>>) target(%dma_start3A_13 : memref<128x128xf32, #tpu.memory_space<vmem>>) offsets(%dma_start3A_16 : memref<128xi32, #tpu.memory_space<vmem>>) semaphore(%arg7 : memref<!tpu.dma_semaphore, #tpu.memory_space<semaphore_mem>>)
    %dma_start3A_20 = arith.constant 2 : i32
    %dma_start3A_21 = arith.constant 256 : i32
    %dma_start3A_22 = arith.constant 0 : i32
    %dma_start3A_23 = tpu.memref_slice %arg6[%dma_start3A_21, %dma_start3A_22] : memref<512x128xf32, #tpu.memory_space<vmem>> -> memref<128x128xf32, #tpu.memory_space<vmem>>
    %dma_start3A_24 = arith.constant 0 : i32
    %dma_start3A_25 = tpu.memref_slice %arg5[%dma_start3A_20, %dma_start3A_24] : memref<4x128xi32, #tpu.memory_space<vmem>> -> memref<1x128xi32, #tpu.memory_space<vmem>>
    %dma_start3A_26 = tpu.memref_squeeze %dma_start3A_25 : memref<1x128xi32, #tpu.memory_space<vmem>> -> memref<128xi32, #tpu.memory_space<vmem>>
    %dma_start3A_27 = arith.constant 0 : i32
    %dma_start3A_28 = arith.constant 0 : i32
    %dma_start3A_29 = tpu.memref_slice %arg3[%dma_start3A_27, %dma_start3A_28] : memref<250000x128xf32, #tpu.memory_space<hbm>> -> memref<250000x128xf32, #tpu.memory_space<hbm>>
    tpu.enqueue_indirect_dma source(%dma_start3A_29 : memref<250000x128xf32, #tpu.memory_space<hbm>>) target(%dma_start3A_23 : memref<128x128xf32, #tpu.memory_space<vmem>>) offsets(%dma_start3A_26 : memref<128xi32, #tpu.memory_space<vmem>>) semaphore(%arg7 : memref<!tpu.dma_semaphore, #tpu.memory_space<semaphore_mem>>)
    %dma_start3A_30 = arith.constant 3 : i32
    %dma_start3A_31 = arith.constant 384 : i32
    %dma_start3A_32 = arith.constant 0 : i32
    %dma_start3A_33 = tpu.memref_slice %arg6[%dma_start3A_31, %dma_start3A_32] : memref<512x128xf32, #tpu.memory_space<vmem>> -> memref<128x128xf32, #tpu.memory_space<vmem>>
    %dma_start3A_34 = arith.constant 0 : i32
    %dma_start3A_35 = tpu.memref_slice %arg5[%dma_start3A_30, %dma_start3A_34] : memref<4x128xi32, #tpu.memory_space<vmem>> -> memref<1x128xi32, #tpu.memory_space<vmem>>
    %dma_start3A_36 = tpu.memref_squeeze %dma_start3A_35 : memref<1x128xi32, #tpu.memory_space<vmem>> -> memref<128xi32, #tpu.memory_space<vmem>>
    %dma_start3A_37 = arith.constant 0 : i32
    %dma_start3A_38 = arith.constant 0 : i32
    %dma_start3A_39 = tpu.memref_slice %arg3[%dma_start3A_37, %dma_start3A_38] : memref<250000x128xf32, #tpu.memory_space<hbm>> -> memref<250000x128xf32, #tpu.memory_space<hbm>>
    tpu.enqueue_indirect_dma source(%dma_start3A_39 : memref<250000x128xf32, #tpu.memory_space<hbm>>) target(%dma_start3A_33 : memref<128x128xf32, #tpu.memory_space<vmem>>) offsets(%dma_start3A_36 : memref<128xi32, #tpu.memory_space<vmem>>) semaphore(%arg7 : memref<!tpu.dma_semaphore, #tpu.memory_space<semaphore_mem>>)
    %dma_wait3A = arith.constant 0 : i32
    %dma_wait3A_40 = arith.constant 0 : i32
    %dma_wait3A_41 = arith.constant 0 : i32
    %dma_wait3A_42 = tpu.memref_slice %arg6[%dma_wait3A_40, %dma_wait3A_41] : memref<512x128xf32, #tpu.memory_space<vmem>> -> memref<128x128xf32, #tpu.memory_space<vmem>>
    %dma_wait3A_43 = arith.constant 0 : i32
    %dma_wait3A_44 = tpu.memref_slice %arg5[%dma_wait3A, %dma_wait3A_43] : memref<4x128xi32, #tpu.memory_space<vmem>> -> memref<1x128xi32, #tpu.memory_space<vmem>>
    %dma_wait3A_45 = tpu.memref_squeeze %dma_wait3A_44 : memref<1x128xi32, #tpu.memory_space<vmem>> -> memref<128xi32, #tpu.memory_space<vmem>>
    %dma_wait3A_46 = arith.constant 0 : i32
    %dma_wait3A_47 = arith.constant 0 : i32
    %dma_wait3A_48 = tpu.memref_slice %arg3[%dma_wait3A_46, %dma_wait3A_47] : memref<250000x128xf32, #tpu.memory_space<hbm>> -> memref<250000x128xf32, #tpu.memory_space<hbm>>
    tpu.wait_indirect_dma semaphore(%arg7 : memref<!tpu.dma_semaphore, #tpu.memory_space<semaphore_mem>>) src(%dma_wait3A_48 : memref<250000x128xf32, #tpu.memory_space<hbm>>) dst(%dma_wait3A_42 : memref<128x128xf32, #tpu.memory_space<vmem>>)
    %dma_wait3A_49 = arith.constant 1 : i32
    %dma_wait3A_50 = arith.constant 128 : i32
    %dma_wait3A_51 = arith.constant 0 : i32
    %dma_wait3A_52 = tpu.memref_slice %arg6[%dma_wait3A_50, %dma_wait3A_51] : memref<512x128xf32, #tpu.memory_space<vmem>> -> memref<128x128xf32, #tpu.memory_space<vmem>>
    %dma_wait3A_53 = arith.constant 0 : i32
    %dma_wait3A_54 = tpu.memref_slice %arg5[%dma_wait3A_49, %dma_wait3A_53] : memref<4x128xi32, #tpu.memory_space<vmem>> -> memref<1x128xi32, #tpu.memory_space<vmem>>
    %dma_wait3A_55 = tpu.memref_squeeze %dma_wait3A_54 : memref<1x128xi32, #tpu.memory_space<vmem>> -> memref<128xi32, #tpu.memory_space<vmem>>
    %dma_wait3A_56 = arith.constant 0 : i32
    %dma_wait3A_57 = arith.constant 0 : i32
    %dma_wait3A_58 = tpu.memref_slice %arg3[%dma_wait3A_56, %dma_wait3A_57] : memref<250000x128xf32, #tpu.memory_space<hbm>> -> memref<250000x128xf32, #tpu.memory_space<hbm>>
    tpu.wait_indirect_dma semaphore(%arg7 : memref<!tpu.dma_semaphore, #tpu.memory_space<semaphore_mem>>) src(%dma_wait3A_58 : memref<250000x128xf32, #tpu.memory_space<hbm>>) dst(%dma_wait3A_52 : memref<128x128xf32, #tpu.memory_space<vmem>>)
    %dma_wait3A_59 = arith.constant 2 : i32
    %dma_wait3A_60 = arith.constant 256 : i32
    %dma_wait3A_61 = arith.constant 0 : i32
    %dma_wait3A_62 = tpu.memref_slice %arg6[%dma_wait3A_60, %dma_wait3A_61] : memref<512x128xf32, #tpu.memory_space<vmem>> -> memref<128x128xf32, #tpu.memory_space<vmem>>
    %dma_wait3A_63 = arith.constant 0 : i32
    %dma_wait3A_64 = tpu.memref_slice %arg5[%dma_wait3A_59, %dma_wait3A_63] : memref<4x128xi32, #tpu.memory_space<vmem>> -> memref<1x128xi32, #tpu.memory_space<vmem>>
    %dma_wait3A_65 = tpu.memref_squeeze %dma_wait3A_64 : memref<1x128xi32, #tpu.memory_space<vmem>> -> memref<128xi32, #tpu.memory_space<vmem>>
    %dma_wait3A_66 = arith.constant 0 : i32
    %dma_wait3A_67 = arith.constant 0 : i32
    %dma_wait3A_68 = tpu.memref_slice %arg3[%dma_wait3A_66, %dma_wait3A_67] : memref<250000x128xf32, #tpu.memory_space<hbm>> -> memref<250000x128xf32, #tpu.memory_space<hbm>>
    tpu.wait_indirect_dma semaphore(%arg7 : memref<!tpu.dma_semaphore, #tpu.memory_space<semaphore_mem>>) src(%dma_wait3A_68 : memref<250000x128xf32, #tpu.memory_space<hbm>>) dst(%dma_wait3A_62 : memref<128x128xf32, #tpu.memory_space<vmem>>)
    %dma_wait3A_69 = arith.constant 3 : i32
    %dma_wait3A_70 = arith.constant 384 : i32
    %dma_wait3A_71 = arith.constant 0 : i32
    %dma_wait3A_72 = tpu.memref_slice %arg6[%dma_wait3A_70, %dma_wait3A_71] : memref<512x128xf32, #tpu.memory_space<vmem>> -> memref<128x128xf32, #tpu.memory_space<vmem>>
    %dma_wait3A_73 = arith.constant 0 : i32
    %dma_wait3A_74 = tpu.memref_slice %arg5[%dma_wait3A_69, %dma_wait3A_73] : memref<4x128xi32, #tpu.memory_space<vmem>> -> memref<1x128xi32, #tpu.memory_space<vmem>>
    %dma_wait3A_75 = tpu.memref_squeeze %dma_wait3A_74 : memref<1x128xi32, #tpu.memory_space<vmem>> -> memref<128xi32, #tpu.memory_space<vmem>>
    %dma_wait3A_76 = arith.constant 0 : i32
    %dma_wait3A_77 = arith.constant 0 : i32
    %dma_wait3A_78 = tpu.memref_slice %arg3[%dma_wait3A_76, %dma_wait3A_77] : memref<250000x128xf32, #tpu.memory_space<hbm>> -> memref<250000x128xf32, #tpu.memory_space<hbm>>
    tpu.wait_indirect_dma semaphore(%arg7 : memref<!tpu.dma_semaphore, #tpu.memory_space<semaphore_mem>>) src(%dma_wait3A_78 : memref<250000x128xf32, #tpu.memory_space<hbm>>) dst(%dma_wait3A_72 : memref<128x128xf32, #tpu.memory_space<vmem>>)
    %mul3A_79 = arith.constant 512 : i32
    %mul3A_80 = arith.muli %add3A, %mul3A_79 : i32
    "tpu.region"() ({
      %run_scoped3A = tpu.sem_alloc : memref<!tpu.dma_semaphore, #tpu.memory_space<semaphore_mem>>
      %dma_start3A_81 = arith.constant 0 : i32
      %dma_start3A_82 = tpu.memref_slice %arg4[%mul3A_80, %dma_start3A_81] : memref<16384x128xf32, #tpu.memory_space<hbm>> -> memref<512x128xf32, #tpu.memory_space<hbm>>
      %dma_start3A_83 = arith.constant 0 : i32
      %dma_start3A_84 = tpu.memref_slice %arg4[%mul3A_80, %dma_start3A_83] : memref<16384x128xf32, #tpu.memory_space<hbm>> -> memref<512x128xf32, #tpu.memory_space<hbm>>
      tpu.enqueue_dma source(%arg6 : memref<512x128xf32, #tpu.memory_space<vmem>>) target(%dma_start3A_84 : memref<512x128xf32, #tpu.memory_space<hbm>>) target_semaphore(%run_scoped3A : memref<!tpu.dma_semaphore, #tpu.memory_space<semaphore_mem>>)
      %dma_wait3A_85 = arith.constant 0 : i32
      %dma_wait3A_86 = tpu.memref_slice %arg4[%mul3A_80, %dma_wait3A_85] : memref<16384x128xf32, #tpu.memory_space<hbm>> -> memref<512x128xf32, #tpu.memory_space<hbm>>
      %dma_wait3A_87 = arith.constant 0 : i32
      %dma_wait3A_88 = tpu.memref_slice %arg4[%mul3A_80, %dma_wait3A_87] : memref<16384x128xf32, #tpu.memory_space<hbm>> -> memref<512x128xf32, #tpu.memory_space<hbm>>
      tpu.wait_dma2 semaphore(%run_scoped3A : memref<!tpu.dma_semaphore, #tpu.memory_space<semaphore_mem>>) src(%arg6 : memref<512x128xf32, #tpu.memory_space<vmem>>) dst(%dma_wait3A_88 : memref<512x128xf32, #tpu.memory_space<hbm>>)
      tpu.yield
    }) : () -> ()
    return
  }
}

module attributes {stable_mosaic.version = 14 : i64} {
  func.func @_tp_body(%arg0: i32, %arg1: memref<32x4096xf32, #tpu.memory_space<vmem>>, %arg2: memref<64x32xf32, #tpu.memory_space<vmem>>, %arg3: memref<32x512xf32, #tpu.memory_space<vmem>>, %arg4: memref<1024x128xf32, #tpu.memory_space<vmem>>) attributes {dimension_semantics = [#tpu.dimension_semantics<parallel>], iteration_bounds = array<i64: 245>, scalar_prefetch = 0 : i64, scratch_operands = 0 : i64, tpu.core_type = #tpu.core_type<tc>, window_params = [{transform_indices = @transform_0, window_bounds = array<i64: 32, 4096>}, {pipeline_mode = #tpu.pipeline_mode<synchronous>, transform_indices = @transform_1, window_bounds = array<i64: 64, 32>}, {pipeline_mode = #tpu.pipeline_mode<synchronous>, transform_indices = @transform_2, window_bounds = array<i64: 32, 512>}, {transform_indices = @transform_3, window_bounds = array<i64: 1024, 128>}]} {
    %lt3A = arith.constant 244 : i32
    %lt3A_0 = arith.cmpi slt, %arg0, %lt3A : i32
    %convert_element_type3A = arith.extui %lt3A_0 : i1 to i32
    %cond3A = arith.constant 0 : i32
    %cond3A_1 = arith.cmpi ne, %convert_element_type3A, %cond3A : i32
    scf.if %cond3A_1 {
      %get3A = arith.constant 0 : index
      %get3A_6 = arith.constant 0 : index
      %get3A_7 = vector.load %arg1[%get3A, %get3A_6] : memref<32x4096xf32, #tpu.memory_space<vmem>>, vector<32x4096xf32>
      %slice3A = vector.extract_strided_slice %get3A_7 {offsets = [0, 0], sizes = [32, 1024], strides = [1, 1]} : vector<32x4096xf32> to vector<32x1024xf32>
      %get3A_8 = arith.constant 0 : index
      %get3A_9 = arith.constant 0 : index
      %get3A_10 = vector.load %arg3[%get3A_8, %get3A_9] : memref<32x512xf32, #tpu.memory_space<vmem>>, vector<32x128xf32>
      %dot_general3A = arith.constant dense<0.000000e+00> : vector<1024x128xf32>
      %dot_general3A_11 = tpu.matmul %slice3A, %get3A_10, %dot_general3A {dimension_numbers = #tpu.dot_dimension_numbers<[0], [0], [1], [1], [0, 1, 1, 1], [], []>, transpose_lhs_hint = false} : vector<32x1024xf32>, vector<32x128xf32>, vector<1024x128xf32> -> vector<1024x128xf32>
      %slice3A_12 = vector.extract_strided_slice %get3A_7 {offsets = [0, 1024], sizes = [32, 1024], strides = [1, 1]} : vector<32x4096xf32> to vector<32x1024xf32>
      %get3A_13 = arith.constant 0 : index
      %get3A_14 = arith.constant 128 : index
      %get3A_15 = vector.load %arg3[%get3A_13, %get3A_14] : memref<32x512xf32, #tpu.memory_space<vmem>>, vector<32x128xf32>
      %dot_general3A_16 = arith.constant dense<0.000000e+00> : vector<1024x128xf32>
      %dot_general3A_17 = tpu.matmul %slice3A_12, %get3A_15, %dot_general3A_16 {dimension_numbers = #tpu.dot_dimension_numbers<[0], [0], [1], [1], [0, 1, 1, 1], [], []>, transpose_lhs_hint = false} : vector<32x1024xf32>, vector<32x128xf32>, vector<1024x128xf32> -> vector<1024x128xf32>
      %add3A = arith.addf %dot_general3A_11, %dot_general3A_17 : vector<1024x128xf32>
      %slice3A_18 = vector.extract_strided_slice %get3A_7 {offsets = [0, 2048], sizes = [32, 1024], strides = [1, 1]} : vector<32x4096xf32> to vector<32x1024xf32>
      %get3A_19 = arith.constant 0 : index
      %get3A_20 = arith.constant 256 : index
      %get3A_21 = vector.load %arg3[%get3A_19, %get3A_20] : memref<32x512xf32, #tpu.memory_space<vmem>>, vector<32x128xf32>
      %dot_general3A_22 = arith.constant dense<0.000000e+00> : vector<1024x128xf32>
      %dot_general3A_23 = tpu.matmul %slice3A_18, %get3A_21, %dot_general3A_22 {dimension_numbers = #tpu.dot_dimension_numbers<[0], [0], [1], [1], [0, 1, 1, 1], [], []>, transpose_lhs_hint = false} : vector<32x1024xf32>, vector<32x128xf32>, vector<1024x128xf32> -> vector<1024x128xf32>
      %add3A_24 = arith.addf %add3A, %dot_general3A_23 : vector<1024x128xf32>
      %slice3A_25 = vector.extract_strided_slice %get3A_7 {offsets = [0, 3072], sizes = [32, 1024], strides = [1, 1]} : vector<32x4096xf32> to vector<32x1024xf32>
      %get3A_26 = arith.constant 0 : index
      %get3A_27 = arith.constant 384 : index
      %get3A_28 = vector.load %arg3[%get3A_26, %get3A_27] : memref<32x512xf32, #tpu.memory_space<vmem>>, vector<32x128xf32>
      %dot_general3A_29 = arith.constant dense<0.000000e+00> : vector<1024x128xf32>
      %dot_general3A_30 = tpu.matmul %slice3A_25, %get3A_28, %dot_general3A_29 {dimension_numbers = #tpu.dot_dimension_numbers<[0], [0], [1], [1], [0, 1, 1, 1], [], []>, transpose_lhs_hint = false} : vector<32x1024xf32>, vector<32x128xf32>, vector<1024x128xf32> -> vector<1024x128xf32>
      %add3A_31 = arith.addf %add3A_24, %dot_general3A_30 : vector<1024x128xf32>
      %swap3A = arith.constant 0 : index
      %swap3A_32 = arith.constant 0 : index
      %swap3A_33 = vector.load %arg4[%swap3A, %swap3A_32] : memref<1024x128xf32, #tpu.memory_space<vmem>>, vector<1024x128xf32>
      tpu.vector_store %arg4[%swap3A, %swap3A_32], %add3A_31 {strides = array<i32>} : memref<1024x128xf32, #tpu.memory_space<vmem>>, vector<1024x128xf32>,
    } else {
    }
    %eq3A = arith.constant 244 : i32
    %eq3A_2 = arith.cmpi eq, %arg0, %eq3A : i32
    %convert_element_type3A_3 = arith.extui %eq3A_2 : i1 to i32
    %cond3A_4 = arith.constant 0 : i32
    %cond3A_5 = arith.cmpi ne, %convert_element_type3A_3, %cond3A_4 : i32
    scf.if %cond3A_5 {
      %get3A = arith.constant 0 : index
      %get3A_6 = arith.constant 0 : index
      %get3A_7 = vector.load %arg1[%get3A, %get3A_6] : memref<32x4096xf32, #tpu.memory_space<vmem>>, vector<32x512xf32>
      %slice3A = vector.extract_strided_slice %get3A_7 {offsets = [0, 0], sizes = [32, 128], strides = [1, 1]} : vector<32x512xf32> to vector<32x128xf32>
      %get3A_8 = arith.constant 0 : index
      %get3A_9 = arith.constant 0 : index
      %get3A_10 = vector.load %arg3[%get3A_8, %get3A_9] : memref<32x512xf32, #tpu.memory_space<vmem>>, vector<32x128xf32>
      %dot_general3A = arith.constant dense<0.000000e+00> : vector<128x128xf32>
      %dot_general3A_11 = tpu.matmul %slice3A, %get3A_10, %dot_general3A {dimension_numbers = #tpu.dot_dimension_numbers<[0], [0], [1], [1], [0, 1, 1, 1], [], []>, transpose_lhs_hint = false} : vector<32x128xf32>, vector<32x128xf32>, vector<128x128xf32> -> vector<128x128xf32>
      %slice3A_12 = vector.extract_strided_slice %get3A_7 {offsets = [0, 128], sizes = [32, 128], strides = [1, 1]} : vector<32x512xf32> to vector<32x128xf32>
      %get3A_13 = arith.constant 0 : index
      %get3A_14 = arith.constant 128 : index
      %get3A_15 = vector.load %arg3[%get3A_13, %get3A_14] : memref<32x512xf32, #tpu.memory_space<vmem>>, vector<32x128xf32>
      %dot_general3A_16 = arith.constant dense<0.000000e+00> : vector<128x128xf32>
      %dot_general3A_17 = tpu.matmul %slice3A_12, %get3A_15, %dot_general3A_16 {dimension_numbers = #tpu.dot_dimension_numbers<[0], [0], [1], [1], [0, 1, 1, 1], [], []>, transpose_lhs_hint = false} : vector<32x128xf32>, vector<32x128xf32>, vector<128x128xf32> -> vector<128x128xf32>
      %add3A = arith.addf %dot_general3A_11, %dot_general3A_17 : vector<128x128xf32>
      %slice3A_18 = vector.extract_strided_slice %get3A_7 {offsets = [0, 256], sizes = [32, 128], strides = [1, 1]} : vector<32x512xf32> to vector<32x128xf32>
      %get3A_19 = arith.constant 0 : index
      %get3A_20 = arith.constant 256 : index
      %get3A_21 = vector.load %arg3[%get3A_19, %get3A_20] : memref<32x512xf32, #tpu.memory_space<vmem>>, vector<32x128xf32>
      %dot_general3A_22 = arith.constant dense<0.000000e+00> : vector<128x128xf32>
      %dot_general3A_23 = tpu.matmul %slice3A_18, %get3A_21, %dot_general3A_22 {dimension_numbers = #tpu.dot_dimension_numbers<[0], [0], [1], [1], [0, 1, 1, 1], [], []>, transpose_lhs_hint = false} : vector<32x128xf32>, vector<32x128xf32>, vector<128x128xf32> -> vector<128x128xf32>
      %add3A_24 = arith.addf %add3A, %dot_general3A_23 : vector<128x128xf32>
      %slice3A_25 = vector.extract_strided_slice %get3A_7 {offsets = [0, 384], sizes = [32, 128], strides = [1, 1]} : vector<32x512xf32> to vector<32x128xf32>
      %get3A_26 = arith.constant 0 : index
      %get3A_27 = arith.constant 384 : index
      %get3A_28 = vector.load %arg3[%get3A_26, %get3A_27] : memref<32x512xf32, #tpu.memory_space<vmem>>, vector<32x128xf32>
      %dot_general3A_29 = arith.constant dense<0.000000e+00> : vector<128x128xf32>
      %dot_general3A_30 = tpu.matmul %slice3A_25, %get3A_28, %dot_general3A_29 {dimension_numbers = #tpu.dot_dimension_numbers<[0], [0], [1], [1], [0, 1, 1, 1], [], []>, transpose_lhs_hint = false} : vector<32x128xf32>, vector<32x128xf32>, vector<128x128xf32> -> vector<128x128xf32>
      %add3A_31 = arith.addf %add3A_24, %dot_general3A_30 : vector<128x128xf32>
      %swap3A = arith.constant 0 : index
      %swap3A_32 = arith.constant 0 : index
      %swap3A_33 = vector.load %arg4[%swap3A, %swap3A_32] : memref<1024x128xf32, #tpu.memory_space<vmem>>, vector<128x128xf32>
      tpu.vector_store %arg4[%swap3A, %swap3A_32], %add3A_31 {strides = array<i32>} : memref<1024x128xf32, #tpu.memory_space<vmem>>, vector<128x128xf32>,
      %get3A_34 = arith.constant 0 : index
      %get3A_35 = arith.constant 0 : index
      %get3A_36 = vector.load %arg2[%get3A_34, %get3A_35] : memref<64x32xf32, #tpu.memory_space<vmem>>, vector<64x32xf32>
      %slice3A_37 = vector.extract_strided_slice %get3A_36 {offsets = [0, 0], sizes = [16, 32], strides = [1, 1]} : vector<64x32xf32> to vector<16x32xf32>
      %swap3A_38 = arith.constant 128 : index
      %swap3A_39 = arith.constant 0 : index
      %swap3A_40 = vector.load %arg4[%swap3A_38, %swap3A_39] : memref<1024x128xf32, #tpu.memory_space<vmem>>, vector<16x32xf32>
      tpu.vector_store %arg4[%swap3A_38, %swap3A_39], %slice3A_37 {strides = array<i32>} : memref<1024x128xf32, #tpu.memory_space<vmem>>, vector<16x32xf32>,
      %slice3A_41 = vector.extract_strided_slice %get3A_36 {offsets = [16, 0], sizes = [16, 32], strides = [1, 1]} : vector<64x32xf32> to vector<16x32xf32>
      %swap3A_42 = arith.constant 128 : index
      %swap3A_43 = arith.constant 32 : index
      %swap3A_44 = vector.load %arg4[%swap3A_42, %swap3A_43] : memref<1024x128xf32, #tpu.memory_space<vmem>>, vector<16x32xf32>
      tpu.vector_store %arg4[%swap3A_42, %swap3A_43], %slice3A_41 {strides = array<i32>} : memref<1024x128xf32, #tpu.memory_space<vmem>>, vector<16x32xf32>,
      %slice3A_45 = vector.extract_strided_slice %get3A_36 {offsets = [32, 0], sizes = [16, 32], strides = [1, 1]} : vector<64x32xf32> to vector<16x32xf32>
      %swap3A_46 = arith.constant 128 : index
      %swap3A_47 = arith.constant 64 : index
      %swap3A_48 = vector.load %arg4[%swap3A_46, %swap3A_47] : memref<1024x128xf32, #tpu.memory_space<vmem>>, vector<16x32xf32>
      tpu.vector_store %arg4[%swap3A_46, %swap3A_47], %slice3A_45 {strides = array<i32>} : memref<1024x128xf32, #tpu.memory_space<vmem>>, vector<16x32xf32>,
      %slice3A_49 = vector.extract_strided_slice %get3A_36 {offsets = [48, 0], sizes = [16, 32], strides = [1, 1]} : vector<64x32xf32> to vector<16x32xf32>
      %swap3A_50 = arith.constant 128 : index
      %swap3A_51 = arith.constant 96 : index
      %swap3A_52 = vector.load %arg4[%swap3A_50, %swap3A_51] : memref<1024x128xf32, #tpu.memory_space<vmem>>, vector<16x32xf32>
      tpu.vector_store %arg4[%swap3A_50, %swap3A_51], %slice3A_49 {strides = array<i32>} : memref<1024x128xf32, #tpu.memory_space<vmem>>, vector<16x32xf32>,
    } else {
    }
    return
  }
  func.func @transform_0(%arg0: i32) -> (i32, i32) {
    %c0_i32 = arith.constant 0 : i32
    %c0_i32_0 = arith.constant 0 : i32
    return %c0_i32, %arg0 : i32, i32
  }
  func.func @transform_1(%arg0: i32) -> (i32, i32) {
    %c0_i32 = arith.constant 0 : i32
    %c0_i32_0 = arith.constant 0 : i32
    %c0_i32_1 = arith.constant 0 : i32
    return %c0_i32, %c0_i32_0 : i32, i32
  }
  func.func @transform_2(%arg0: i32) -> (i32, i32) {
    %c0_i32 = arith.constant 0 : i32
    %c0_i32_0 = arith.constant 0 : i32
    %c0_i32_1 = arith.constant 0 : i32
    return %c0_i32, %c0_i32_0 : i32, i32
  }
  func.func @transform_3(%arg0: i32) -> (i32, i32) {
    %c0_i32 = arith.constant 0 : i32
    %c0_i32_0 = arith.constant 0 : i32
    return %arg0, %c0_i32 : i32, i32
  }
}

module attributes {stable_mosaic.version = 14 : i64} {
  func.func @_tc_body(%arg0: i32, %arg1: memref<2048x128xf32, #tpu.memory_space<vmem>>, %arg2: memref<1x1x2048xi32, #tpu.memory_space<vmem>>, %arg3: memref<1x1x2048xi32, #tpu.memory_space<vmem>>, %arg4: memref<2048x8xf32, #tpu.memory_space<vmem>>, %arg5: memref<32x64xf32, #tpu.memory_space<vmem>>, %arg6: memref<16x64xf32, #tpu.memory_space<vmem>>, %arg7: memref<8x64xf32, #tpu.memory_space<vmem>>, %arg8: memref<2048x64xf32, #tpu.memory_space<vmem>>) attributes {dimension_semantics = [#tpu.dimension_semantics<arbitrary>], iteration_bounds = array<i64: 8>, scalar_prefetch = 0 : i64, scratch_operands = 0 : i64, tpu.core_type = #tpu.core_type<tc>, window_params = [{transform_indices = @transform_0, window_bounds = array<i64: 2048, 128>}, {transform_indices = @transform_1, window_bounds = array<i64: 1, 1, 2048>}, {transform_indices = @transform_2, window_bounds = array<i64: 1, 1, 2048>}, {transform_indices = @transform_3, window_bounds = array<i64: 2048, 8>}, {pipeline_mode = #tpu.pipeline_mode<synchronous>, transform_indices = @transform_4, window_bounds = array<i64: 32, 64>}, {pipeline_mode = #tpu.pipeline_mode<synchronous>, transform_indices = @transform_5, window_bounds = array<i64: 16, 64>}, {pipeline_mode = #tpu.pipeline_mode<synchronous>, transform_indices = @transform_6, window_bounds = array<i64: 8, 64>}, {transform_indices = @transform_7, window_bounds = array<i64: 2048, 64>}]} {
    %get3A = arith.constant 0 : index
    %get3A_0 = arith.constant 0 : index
    %get3A_1 = vector.load %arg1[%get3A, %get3A_0] : memref<2048x128xf32, #tpu.memory_space<vmem>>, vector<2048x128xf32>
    %get3A_2 = arith.constant 0 : index
    %get3A_3 = arith.constant 0 : index
    %get3A_4 = arith.constant 0 : index
    %get3A_5 = vector.load %arg2[%get3A_2, %get3A_3, %get3A_4] : memref<1x1x2048xi32, #tpu.memory_space<vmem>>, vector<1x1x2048xi32>
    %get3A_6 = vector.shape_cast %get3A_5 : vector<1x1x2048xi32> to vector<2048xi32>
    %broadcast_in_dim3A = vector.shape_cast %get3A_6 : vector<2048xi32> to vector<2048x1xi32>
    %slice3A = vector.extract_strided_slice %get3A_1 {offsets = [0, 96], sizes = [2048, 32], strides = [1, 1]} : vector<2048x128xf32> to vector<2048x32xf32>
    %eq3A = arith.constant 2 : i32
    %eq3A_7 = vector.broadcast %eq3A : i32 to vector<2048x1xi32>
    %eq3A_8 = arith.cmpi eq, %broadcast_in_dim3A, %eq3A_7 : vector<2048x1xi32>
    %slice3A_9 = vector.extract_strided_slice %get3A_1 {offsets = [0, 64], sizes = [2048, 32], strides = [1, 1]} : vector<2048x128xf32> to vector<2048x32xf32>
    %broadcast_in_dim3A_10 = vector.shape_cast %eq3A_8 : vector<2048x1xi1> to vector<2048x1xi1>
    %broadcast_in_dim3A_11 = vector.broadcast %broadcast_in_dim3A_10 : vector<2048x1xi1> to vector<2048x32xi1>
    %select_n3A = arith.select %broadcast_in_dim3A_11, %slice3A_9, %slice3A : vector<2048x32xi1>, vector<2048x32xf32>
    %eq3A_12 = arith.constant 1 : i32
    %eq3A_13 = vector.broadcast %eq3A_12 : i32 to vector<2048x1xi32>
    %eq3A_14 = arith.cmpi eq, %broadcast_in_dim3A, %eq3A_13 : vector<2048x1xi32>
    %slice3A_15 = vector.extract_strided_slice %get3A_1 {offsets = [0, 32], sizes = [2048, 32], strides = [1, 1]} : vector<2048x128xf32> to vector<2048x32xf32>
    %broadcast_in_dim3A_16 = vector.shape_cast %eq3A_14 : vector<2048x1xi1> to vector<2048x1xi1>
    %broadcast_in_dim3A_17 = vector.broadcast %broadcast_in_dim3A_16 : vector<2048x1xi1> to vector<2048x32xi1>
    %select_n3A_18 = arith.select %broadcast_in_dim3A_17, %slice3A_15, %select_n3A : vector<2048x32xi1>, vector<2048x32xf32>
    %eq3A_19 = arith.constant 0 : i32
    %eq3A_20 = vector.broadcast %eq3A_19 : i32 to vector<2048x1xi32>
    %eq3A_21 = arith.cmpi eq, %broadcast_in_dim3A, %eq3A_20 : vector<2048x1xi32>
    %slice3A_22 = vector.extract_strided_slice %get3A_1 {offsets = [0, 0], sizes = [2048, 32], strides = [1, 1]} : vector<2048x128xf32> to vector<2048x32xf32>
    %broadcast_in_dim3A_23 = vector.shape_cast %eq3A_21 : vector<2048x1xi1> to vector<2048x1xi1>
    %broadcast_in_dim3A_24 = vector.broadcast %broadcast_in_dim3A_23 : vector<2048x1xi1> to vector<2048x32xi1>
    %select_n3A_25 = arith.select %broadcast_in_dim3A_24, %slice3A_22, %select_n3A_18 : vector<2048x32xi1>, vector<2048x32xf32>
    %get3A_26 = arith.constant 0 : index
    %get3A_27 = arith.constant 0 : index
    %get3A_28 = arith.constant 0 : index
    %get3A_29 = vector.load %arg3[%get3A_26, %get3A_27, %get3A_28] : memref<1x1x2048xi32, #tpu.memory_space<vmem>>, vector<1x1x2048xi32>
    %get3A_30 = vector.shape_cast %get3A_29 : vector<1x1x2048xi32> to vector<2048xi32>
    %broadcast_in_dim3A_31 = vector.shape_cast %get3A_30 : vector<2048xi32> to vector<2048x1xi32>
    %iota3A = tpu.iota {dimensions = array<i32: 1>} : vector<1x16xi32>
    %eq3A_32 = vector.broadcast %broadcast_in_dim3A_31 : vector<2048x1xi32> to vector<2048x16xi32>
    %eq3A_33 = vector.broadcast %iota3A : vector<1x16xi32> to vector<2048x16xi32>
    %eq3A_34 = arith.cmpi eq, %eq3A_32, %eq3A_33 : vector<2048x16xi32>
    %convert_element_type3A = arith.extui %eq3A_34 : vector<2048x16xi1> to vector<2048x16xi32>
    %convert_element_type3A_35 = arith.sitofp %convert_element_type3A : vector<2048x16xi32> to vector<2048x16xf32>
    %get3A_36 = arith.constant 0 : index
    %get3A_37 = arith.constant 0 : index
    %get3A_38 = vector.load %arg5[%get3A_36, %get3A_37] : memref<32x64xf32, #tpu.memory_space<vmem>>, vector<32x64xf32>
    %dot_general3A = arith.constant dense<0.000000e+00> : vector<2048x64xf32>
    %dot_general3A_39 = tpu.matmul %select_n3A_25, %get3A_38, %dot_general3A {dimension_numbers = #tpu.dot_dimension_numbers<[1], [0], [0], [1], [0, 0, 1, 1], [], []>, transpose_lhs_hint = false} : vector<2048x32xf32>, vector<32x64xf32>, vector<2048x64xf32> -> vector<2048x64xf32>
    %get3A_40 = arith.constant 0 : index
    %get3A_41 = arith.constant 0 : index
    %get3A_42 = vector.load %arg6[%get3A_40, %get3A_41] : memref<16x64xf32, #tpu.memory_space<vmem>>, vector<16x64xf32>
    %dot_general3A_43 = arith.constant dense<0.000000e+00> : vector<2048x64xf32>
    %dot_general3A_44 = tpu.matmul %convert_element_type3A_35, %get3A_42, %dot_general3A_43 {dimension_numbers = #tpu.dot_dimension_numbers<[1], [0], [0], [1], [0, 0, 1, 1], [], []>, transpose_lhs_hint = false} : vector<2048x16xf32>, vector<16x64xf32>, vector<2048x64xf32> -> vector<2048x64xf32>
    %add3A = arith.addf %dot_general3A_39, %dot_general3A_44 : vector<2048x64xf32>
    %get3A_45 = arith.constant 0 : index
    %get3A_46 = arith.constant 0 : index
    %get3A_47 = vector.load %arg4[%get3A_45, %get3A_46] : memref<2048x8xf32, #tpu.memory_space<vmem>>, vector<2048x8xf32>
    %get3A_48 = arith.constant 0 : index
    %get3A_49 = arith.constant 0 : index
    %get3A_50 = vector.load %arg7[%get3A_48, %get3A_49] : memref<8x64xf32, #tpu.memory_space<vmem>>, vector<8x64xf32>
    %dot_general3A_51 = arith.constant dense<0.000000e+00> : vector<2048x64xf32>
    %dot_general3A_52 = tpu.matmul %get3A_47, %get3A_50, %dot_general3A_51 {dimension_numbers = #tpu.dot_dimension_numbers<[1], [0], [0], [1], [0, 0, 1, 1], [], []>, transpose_lhs_hint = false} : vector<2048x8xf32>, vector<8x64xf32>, vector<2048x64xf32> -> vector<2048x64xf32>
    %add3A_53 = arith.addf %add3A, %dot_general3A_52 : vector<2048x64xf32>
    %swap3A = arith.constant 0 : index
    %swap3A_54 = arith.constant 0 : index
    %swap3A_55 = vector.load %arg8[%swap3A, %swap3A_54] : memref<2048x64xf32, #tpu.memory_space<vmem>>, vector<2048x64xf32>
    tpu.vector_store %arg8[%swap3A, %swap3A_54], %add3A_53 {strides = array<i32>} : memref<2048x64xf32, #tpu.memory_space<vmem>>, vector<2048x64xf32>,
    return
  }
  func.func @transform_0(%arg0: i32) -> (i32, i32) {
    %c0_i32 = arith.constant 0 : i32
    %c0_i32_0 = arith.constant 0 : i32
    return %arg0, %c0_i32 : i32, i32
  }
  func.func @transform_1(%arg0: i32) -> (i32, i32, i32) {
    %c0_i32 = arith.constant 0 : i32
    %c0_i32_0 = arith.constant 0 : i32
    %c0_i32_1 = arith.constant 0 : i32
    return %arg0, %c0_i32, %c0_i32_0 : i32, i32, i32
  }
  func.func @transform_2(%arg0: i32) -> (i32, i32, i32) {
    %c0_i32 = arith.constant 0 : i32
    %c0_i32_0 = arith.constant 0 : i32
    %c0_i32_1 = arith.constant 0 : i32
    return %arg0, %c0_i32, %c0_i32_0 : i32, i32, i32
  }
  func.func @transform_3(%arg0: i32) -> (i32, i32) {
    %c0_i32 = arith.constant 0 : i32
    %c0_i32_0 = arith.constant 0 : i32
    return %arg0, %c0_i32 : i32, i32
  }
  func.func @transform_4(%arg0: i32) -> (i32, i32) {
    %c0_i32 = arith.constant 0 : i32
    %c0_i32_0 = arith.constant 0 : i32
    %c0_i32_1 = arith.constant 0 : i32
    return %c0_i32, %c0_i32_0 : i32, i32
  }
  func.func @transform_5(%arg0: i32) -> (i32, i32) {
    %c0_i32 = arith.constant 0 : i32
    %c0_i32_0 = arith.constant 0 : i32
    %c0_i32_1 = arith.constant 0 : i32
    return %c0_i32, %c0_i32_0 : i32, i32
  }
  func.func @transform_6(%arg0: i32) -> (i32, i32) {
    %c0_i32 = arith.constant 0 : i32
    %c0_i32_0 = arith.constant 0 : i32
    %c0_i32_1 = arith.constant 0 : i32
    return %c0_i32, %c0_i32_0 : i32, i32
  }
  func.func @transform_7(%arg0: i32) -> (i32, i32) {
    %c0_i32 = arith.constant 0 : i32
    %c0_i32_0 = arith.constant 0 : i32
    return %arg0, %c0_i32 : i32, i32
  }
}

</mosaic_0001>

<sc_bundles>
// kernel: kernel.5.cloned.1.call-start
scs
__scs_entry_jumppad:
0x0: {  	(pc) =	sbr.rel $0x88, $3  }
0x1: {  	(tag) =	ssettag $0x0;
	lr =	simm.s32 $0x1  }
0x2: {  	[smem:$0x3F98] =	sst lr;
	_ =	strace $0xD0000000  }
0x3: {  	_ = 	snop  }
0x4: {  	_ = 	snop  }
0x5: {  	_ = 	snop  }
0x6: {  	_ = 	snop  }
0x7: {  	_ = 	snop  }
__scs_overlays_trampoline_lowered:
0x8: {  	[smem:$0x3FA7] =	sst s0  }
0x9: {  	[smem:$0x3FA8] =	sst s1  }
0xa: {  	[smem:$0x3FA9] =	sst s2  }
0xb: {  	[smem:$0x3FAA] =	sst s3  }
0xc: {  	[smem:$0x3FAB] =	sst s4  }
0xd: {  	[smem:$0x3FAC] =	sst s5  }
0xe: {  	[smem:$0x3FAD] =	sst s6  }
0xf: {  	[smem:$0x3FAE] =	sst s7  }
0x10: {  	[smem:$0x3FAF] =	sst s8  }
0x11: {  	[smem:$0x3FB0] =	sst s9;
	s0 =	simm.s32 @!p0 $0x0  }
0x12: {  	s1 =	sld [smem:$0x3F96];
	s0 =	simm.s32 @p0 $0x1  }
0x13: {  	[smem:$0x3FB1] =	sst s0;
	s0 =	simm.s32 @!p1 $0x0  }
0x14: {  	s2 =	sld [smem:$0x3F95];
	s0 =	simm.s32 @p1 $0x1  }
0x15: {  	[smem:$0x3FB2] =	sst s0;
	s0 =	simm.s32 @!p2 $0x0  }
0x16: {  	s3 =	sld [smem:$0x3FDB];
	s0 =	simm.s32 @p2 $0x1  }
0x17: {  	s4 =	simm.s32 $0x1BF5;
	[smem:$0x3FB4] =	sst s0  }
0x18: {  	s0 =	sld [smem:$0x3F97];
	_ =	swait.ge [sflag:s4], $0x0  }
0x19: {  	s7 =	sld [smem:$0x3F98]  }
0x1a: {  	s8 =	sadd.s32 $0xFFFFE003, lr  }
0x1b: {  	s9 =	sadd.s32 $0xFFFFFEF7, lr;
	s5 =	simm.s32 $0xFFFFFFFF;
	p2 =	slt.u32 s8, $0xFFFFF086  }
0x1c: {  	p1 =	slt.u32 s9, $0xF7A;
	s5 =	simm.s32 @!p2 $0x0  }
0x1d: {  	s5 =	simm.s32 @p1 $0x1;
	p0 =	seq.s32 s7, s2  }
0x1e: {  	s7 =	smul.u32 @!p0 $0xF7A, s2;
	p2 =	seq.s32 @!p0 s5, $0x0  }
0x1f: {  	s9 =	smul.u32 $0xF7A, s1;
	s8 =	simm.s32 @!p0 $0x1BF5;
	p2 =	por !p2, p0  }
0x20: {  	[sflag:s8] =	ssyncset.s32 @!p0 $0xFFFFF086;
	s6 =	sadd.s32 @!p0 s3, s7;
	s7 =	simm.s32 @!p0 $0x108  }
0x21: {  	s3 =	sadd.s32 s3, s9;
	s6 =	sadd.s32 @!p0 $0x88, s6;
	s7 =	simm.s32 @p2 $0x1082  }
0x22: {  	[simem:s7], [sflag:s8] =	dma.local @!p0 [hbm:s6], $0xF7A  }
0x23: {  	s9 =	sor.u32 $0xD0000000, s2;
	s6 =	simm.s32 $0x108;
	_ =	swait.ge @!p0 [sflag:s8], $0x0  }
0x24: {  	s3 =	sadd.s32 $0x88, s3;
	s6 =	simm.s32 @!p1 $0x1082;
	[sflag:s4] =	ssyncset.s32 $0xFFFFF086  }
0x25: {  	[simem:s6], [sflag:s4] =	dma.local [hbm:s3], $0xF7A  }
0x26: {  	[smem:$0x3F98] =	sst s1;
	(tag) =	ssettag s2;
	_ =	strace s9  }
0x27: {  	s1 =	sld [smem:$0x3FA8]  }
0x28: {  	s2 =	sld [smem:$0x3FA9]  }
0x29: {  	s4 =	sld [smem:$0x3FAB]  }
0x2a: {  	p0 =	seq.s32 s5, $0x0;
	s5 =	sld [smem:$0x3FAC]  }
0x2b: {  	s6 =	sld [smem:$0x3FAD]  }
0x2c: {  	s7 =	sld [smem:$0x3FAE]  }
0x2d: {  	s3 =	simm.s32 $0x108;
	s8 =	sld [smem:$0x3FAF]  }
0x2e: {  	s3 =	simm.s32 @!p0 $0x1082;
	s9 =	sld [smem:$0x3FB0]  }
0x2f: {  	lr =	sadd.s32 s0, s3;
	s0 =	sld [smem:$0x3FA7]  }
0x30: {  	s3 =	sld [smem:$0x3FAA]  }
0x31: {  	[smem:$0x3FB3] =	sst s10  }
0x32: {  	s10 =	sld [smem:$0x3FB1];
	_ =	sdelay $0x3  }
0x33: {  	p0 =	seq.s32 s10, $0x1;
	s10 =	sld [smem:$0x3FB3];
	_ =	sdelay $0x3  }
0x34: {  	[smem:$0x3FB3] =	sst s10  }
0x35: {  	s10 =	sld [smem:$0x3FB2];
	_ =	sdelay $0x3  }
0x36: {  	p1 =	seq.s32 s10, $0x1;
	s10 =	sld [smem:$0x3FB3];
	_ =	sdelay $0x3  }
0x37: {  	[smem:$0x3FB3] =	sst s10  }
0x38: {  	s10 =	sld [smem:$0x3FB4]  }
0x39: {  	_ = 	snop;
	(pc) =	sbr.ind lr, $3  }
0x3a: {  	_ = 	snop  }
0x3b: {  	_ = 	snop  }
0x3c: {  	p2 =	seq.s32 s10, $0x1;
	s10 =	sld [smem:$0x3FB3]  }
0x3d: {  	_ =	shalt  }
0x3e: {  	_ =	shalt  }
0x3f: {  	_ =	shalt  }
0x40: {  	_ =	shalt  }
0x41: {  	_ =	shalt  }
0x42: {  	_ =	shalt  }
0x43: {  	_ =	shalt  }
0x44: {  	_ =	shalt  }
0x45: {  	_ =	shalt  }
0x46: {  	_ =	shalt  }
0x47: {  	_ =	shalt  }
0x48: {  	_ =	shalt  }
0x49: {  	_ =	shalt  }
0x4a: {  	_ =	shalt  }
0x4b: {  	_ =	shalt  }
0x4c: {  	_ =	shalt  }
0x4d: {  	_ =	shalt  }
0x4e: {  	_ =	shalt  }
0x4f: {  	_ =	shalt  }
0x50: {  	_ =	shalt  }
0x51: {  	_ =	shalt  }
0x52: {  	_ =	shalt  }
0x53: {  	_ =	shalt  }
0x54: {  	_ =	shalt  }
0x55: {  	_ =	shalt  }
0x56: {  	_ =	shalt  }
0x57: {  	_ =	shalt  }
0x58: {  	_ =	shalt  }
0x59: {  	_ =	shalt  }
0x5a: {  	_ =	shalt  }
0x5b: {  	_ =	shalt  }
0x5c: {  	_ =	shalt  }
0x5d: {  	_ =	shalt  }
0x5e: {  	_ =	shalt  }
0x5f: {  	_ =	shalt  }
0x60: {  	_ =	shalt  }
0x61: {  	_ =	shalt  }
0x62: {  	_ =	shalt  }
0x63: {  	_ =	shalt  }
0x64: {  	_ =	shalt  }
0x65: {  	_ =	shalt  }
0x66: {  	_ =	shalt  }
0x67: {  	_ =	shalt  }
0x68: {  	_ =	shalt  }
0x69: {  	_ =	shalt  }
0x6a: {  	_ =	shalt  }
0x6b: {  	_ =	shalt  }
0x6c: {  	_ =	shalt  }
0x6d: {  	_ =	shalt  }
0x6e: {  	_ =	shalt  }
0x6f: {  	_ =	shalt  }
0x70: {  	_ =	shalt  }
0x71: {  	_ =	shalt  }
0x72: {  	_ =	shalt  }
0x73: {  	_ =	shalt  }
0x74: {  	_ =	shalt  }
0x75: {  	_ =	shalt  }
0x76: {  	_ =	shalt  }
0x77: {  	_ =	shalt  }
0x78: {  	_ =	shalt  }
0x79: {  	_ =	shalt  }
0x7a: {  	_ =	shalt  }
0x7b: {  	_ =	shalt  }
0x7c: {  	_ =	shalt  }
0x7d: {  	_ =	shalt  }
0x7e: {  	_ =	shalt  }
0x7f: {  	_ =	shalt  }
0x80: {  	_ =	shalt  }
0x81: {  	_ =	shalt  }
0x82: {  	_ =	shalt  }
0x83: {  	_ =	shalt  }
0x84: {  	_ =	shalt  }
0x85: {  	_ =	shalt  }
0x86: {  	_ =	shalt  }
0x87: {  	_ =	shalt  }
.Lfunc_end0:
.L_simem_size_0:
called_computation_lowered:
.L_overlay_start_0:
0x88: {  	s2 =	sld [smem:$0x3FD9]  }
0x89: {  	s3 =	sld [smem:$0x3FFE];
	_ =	sdelay $0x1  }
0x8a: {  	s1 =	srdreg.scid  }
0x8b: {  	s0 =	sand.u32 $0x1, s1  }
0x8c: {  	s16 =	sshll.u32 s0, $0xA;
	s2 =	sadd.s32 s3, s2  }
0x8d: {  	s2 =	sadd.s32 s2, s16  }
0x8e: {  	[smem:$0x3FBF] =	sst s2  }
0x8f: {  	_ = 	snop  }
0x90: {  	(tm) =	ssettm $0x1  }
0x91: {  	s17 =	sld [smem:$0x3FFB];
	_ =	sdelay $0x3  }
0x92: {  	_ =	strace s17  }
0x93: {  	s2 =	sld [smem:$0x3FFC];
	_ =	sdelay $0x3  }
0x94: {  	_ =	strace s2  }
0x95: {  	s2 =	sld [smem:$0x3FFD];
	_ =	sdelay $0x3  }
0x96: {  	_ =	strace s2  }
0x97: {  	_ =	strace $0x8FFFFFFF  }
0x98: {  	s18 =	sld [smem:$0x3FDB];
	_ =	sdelay $0x1  }
0x99: {  	s19 =	simm.s32 $_scs_section_size  }
0x9a: {  	s4 =	simm.s32 $_size__tile_overlayer_lowered;
	s5 =	simm.s32 $_tile_overlayer_lowered  }
0x9b: {  	s22 =	simm.s32 $0x1BFF;
	s21 =	sshll.u32 s5, $0x1;
	s2 =	sadd.s32 s19, s18  }
0x9c: {  	s6 =	simm.s32 $0x0;
	s20 =	sshll.u32 s4, $0x1;
	s4 =	sadd.s32 s21, s2  }
0x9d: {  	[timem:s6], [sflag:s22] =	dma.local [hbm:s4], s20  }
0x9e: {  	_ =	swait.ge [sflag:s22], s20  }
0x9f: {  	s3 =	ssub.s32 $0x0, s20;
	[sflag:s22] =	ssyncset.done $0x0  }
0xa0: {  	[sflag:s22] =	ssyncadd.s32 s3;
	_ =	sdelay $0x1  }
0xa1: {  	s23 =	simm.s32 $0x1B8B  }
0xa2: {  	_ =	swait.ge [sflag:s23], $0x1  }
0xa3: {  	[sflag:s23] =	ssyncset.done $0x0  }
0xa4: {  	s25 =	simm.s32 $0x1B8E;
	s24 =	sld [smem:$0x3FFE];
	[sflag:s23] =	ssyncadd.s32 $0xFFFFFFFF  }
0xa5: {  	s26 =	simm.s32 $execute0_lowered;
	[smem:$0x3FD2] =	sst s25  }
0xa6: {  	s4 =	sshll.u32 s26, $0x1;
	_ =	strace $0x80000046;
	[dreg:$0x1] =	wrdreg $0xFFFFFFFF  }
0xa7: {  	s28 =	simm.s32 $_size_execute0_lowered;
	s2 =	sadd.s32 s2, s4;
	[dreg:$0x0] =	wrdreg $0x0  }
0xa8: {  	s4 =	sshll.u32 s28, $0x1;
	[dreg:$0x2] =	wrdreg s2  }
0xa9: {  	[dreg:$0x3] =	wrdreg s4  }
0xaa: {  	[dreg:$0x4] =	wrdreg $0xC0  }
0xab: {  	_ =	task [dreg:s6], $0x5FFFF  }
0xac: {  	[dreg:$0x1] =	wrdreg $0xFFFFFFFF  }
0xad: {  	[dreg:$0x0] =	wrdreg $0x60  }
0xae: {  	[dreg:$0x2] =	wrdreg s24  }
0xaf: {  	[dreg:$0x3] =	wrdreg $0x9  }
0xb0: {  	_ =	task.clear_ibuf [dreg:s6], $0x4FFFF;
	_ =	strace $0x90000046  }
0xb1: {  	s29 =	simm.s32 $0x9;
	_ =	strace $0x80000048  }
0xb2: {  	_ =	swait.ge [sflag:s29], $0x1  }
0xb3: {  	[sflag:s29] =	ssyncadd.s32 $0xFFFFFFFF  }
0xb4: {  	_ =	strace $0x90000048  }
0xb5: {  	_ =	sfence  }
0xb6: {  	s30 =	sld [smem:$0x0];
	_ =	sdelay $0x2  }
0xb7: {  	s31 =	sshll.u32 s1, $0xD;
	s1 =	sshrl.u32 s1, $0x2  }
0xb8: {  	s3 =	sand.u32 $0x4000, s31;
	s1 =	sadd.s32 s1, s30  }
0xb9: {  	s0 =	sor.u32 s3, s0;
	s1 =	sshll.u32 s1, $0x11  }
0xba: {  	s0 =	sor.u32 s1, s0  }
0xbb: {  	s0 =	sadd.s32 $0x8F2B, s0  }
0xbc: {  	[sflag:s0] =	ssyncadd.remote.s32 $0x1  }
0xbd: {  	_ =	sfence.sel $0xFFFF  }
0xbe: {  	[dreg:$0x0] =	wrdreg $0xFFFFFFFF;
	(pc) =	sbr.abs _section_cstart, $3  }
0xbf: {  	[dreg:$0x1] =	wrdreg $0xFFFFFFFF  }
0xc0: {  	_ =	task.clear_ibuf [dreg:s6], $0x2FFFF;
	_ =	strace $0x9FFFFFFF  }
0xc1: {  	(tm) =	ssettm $0x7FFFFFFF  }
tec
execute0_lowered:
.L_overlay_start_1:
0x0: {  	(tag) =	ssettag $0x1  }
0x1: {  	s1 =	srdreg.scid  }
0x2: {  	s0 =	stileid.u32;
	s14 =	sand.u32 $0x1, s1  }
0x3: {  	s29 =	sshll.u32 s0, $0xA;
	s2 =	sshll.u32 s14, $0x9  }
0x4: {  	s15 =	rddreg [dreg:$0x0];
	s16 =	sor.u32 s2, s29  }
0x5: {  	s1 =	rddreg [dreg:$0x1];
	s2 =	simm.s32 $0x0;
	s3 =	sshrl.u32 s16, $0x3  }
0x6: {  	[smem:$0x7FF] =	sst s2;
	s3 =	sadd.s32 s3, s15  }
0x7: {  	_ =	strace $0x80000047;
	s4 =	sadd.s32 $0x1600, s3;
	s3 =	simm.s32 $0x2  }
0x8: {  	[tilespmem:s2], [sflag:$0x2] =	stream.linear.gather [hbm4b:s4+s2], $0x200, $0x38;
	[tilespmem:$0x10200] =	vst v63  }
0x9: {  	_ =	swait.ge [sflag:s3], $0x200  }
0xa: {  	s6 =	simm.s32 $0x80;
	[sflag:s3] =	ssyncset.done $0x0  }
0xb: {  	s7 =	simm.s32 $0x200;
	s5 =	sadd.s32 $0x1E00, s15;
	[sflag:s3] =	ssyncadd.s32 $0xFFFFFE00  }
0xc: {  	[tilespmem:s7], [sflag:$0x1] =	stream.indirect.gather [hbm4b:s5+s6], $0x80, s2, s6, $0xb8;
	[tilespmem:$0x10200] =	vst v63  }
0xd: {  	s8 =	simm.s32 $0x4200  }
0xe: {  	[tilespmem:s8], [sflag:$0x1] =	stream.indirect.gather [hbm4b:s5+s6], $0x80, s6, s6, $0xb8;
	[tilespmem:$0x10200] =	vst v63  }
0xf: {  	s9 =	simm.s32 $0x100;
	s10 =	simm.s32 $0x8200  }
0x10: {  	[tilespmem:s10], [sflag:$0x1] =	stream.indirect.gather [hbm4b:s5+s6], $0x80, s9, s6, $0xb8;
	[tilespmem:$0x10200] =	vst v63  }
0x11: {  	s11 =	simm.s32 $0x180;
	s12 =	simm.s32 $0xC200;
	s13 =	simm.s32 $0x1  }
0x12: {  	[tilespmem:s12], [sflag:$0x1] =	stream.indirect.gather [hbm4b:s5+s6], $0x80, s11, s6, $0xb8;
	[tilespmem:$0x10200] =	vst v63  }
0x13: {  	_ =	swait.ge [sflag:s13], $0x4000  }
0x14: {  	[sflag:s13] =	ssyncset.done $0x0  }
0x15: {  	[sflag:s13] =	ssyncadd.s32 $0xFFFFC000  }
0x16: {  	_ =	swait.ge [sflag:s13], $0x4000  }
0x17: {  	[sflag:s13] =	ssyncset.done $0x0  }
0x18: {  	s14 =	ssub.s32 $0x2, s14;
	[sflag:s13] =	ssyncadd.s32 $0xFFFFC000  }
0x19: {  	s17 =	sshrl.u32 s14, $0x1;
	_ =	swait.ge [sflag:s13], $0x4000  }
0x1a: {  	s30 =	ssub.s32 s14, s17;
	[sflag:s13] =	ssyncset.done $0x0  }
0x1b: {  	s31 =	smax.u32 s30, $0x1;
	[sflag:s13] =	ssyncadd.s32 $0xFFFFC000  }
0x1c: {  	s16 =	sshll.u32 s16, $0x4;
	p0 =	sne.s32 s31, $0x1;
	_ =	swait.ge [sflag:s13], $0x4000  }
.Ltmp0:
0x1d: {  	s15 =	sadd.s32 s16, s15;
	[sflag:s13] =	ssyncset.done $0x0;
	(pc) =	sbr.rel @!p0 .LBB2_2-.Ltmp0, $4  }
0x1e: {  	s14 =	sadd.s32 $0x3D2800, s15;
	[sflag:s13] =	ssyncadd.s32 $0xFFFFC000  }
0x1f: {  	[hbm4b:s14+s2] =	stream.linear.scatter [tilespmem:s7], [sflag:$0x2], $0x10000, $0x38;
	[tilespmem:$0x10200] =	vst v63  }
0x20: {  	_ =	swait.ge [sflag:s3], $0x10000  }
0x21: {  	s15 =	sadd.s32 $0xFFFFFFFF, s31;
	[sflag:s3] =	ssyncset.done $0x0  }
.LBB2_1:
0x22: {  	p0 =	sne.s32 s15, $0x1;
	s15 =	sadd.s32 $0xFFFFFFFF, s15;
	[sflag:s3] =	ssyncadd.s32 $0xFFFF0000  }
0x23: {  	[tilespmem:s2], [sflag:$0x2] =	stream.linear.gather [hbm4b:s4+s2], $0x200, $0x38;
	[tilespmem:$0x10200] =	vst v63  }
0x24: {  	_ =	swait.ge [sflag:s3], $0x200  }
0x25: {  	[sflag:s3] =	ssyncset.done $0x0  }
0x26: {  	[sflag:s3] =	ssyncadd.s32 $0xFFFFFE00  }
0x27: {  	[tilespmem:s7], [sflag:$0x1] =	stream.indirect.gather [hbm4b:s5+s6], $0x80, s2, s6, $0xb8;
	[tilespmem:$0x10200] =	vst v63  }
0x28: {  	_ = 	snop  }
0x29: {  	[tilespmem:s8], [sflag:$0x1] =	stream.indirect.gather [hbm4b:s5+s6], $0x80, s6, s6, $0xb8;
	[tilespmem:$0x10200] =	vst v63  }
0x2a: {  	_ = 	snop  }
0x2b: {  	[tilespmem:s10], [sflag:$0x1] =	stream.indirect.gather [hbm4b:s5+s6], $0x80, s9, s6, $0xb8;
	[tilespmem:$0x10200] =	vst v63  }
0x2c: {  	_ = 	snop  }
0x2d: {  	[tilespmem:s12], [sflag:$0x1] =	stream.indirect.gather [hbm4b:s5+s6], $0x80, s11, s6, $0xb8;
	[tilespmem:$0x10200] =	vst v63  }
0x2e: {  	_ =	swait.ge [sflag:s13], $0x4000  }
0x2f: {  	[sflag:s13] =	ssyncset.done $0x0  }
0x30: {  	[sflag:s13] =	ssyncadd.s32 $0xFFFFC000  }
0x31: {  	_ =	swait.ge [sflag:s13], $0x4000  }
0x32: {  	[sflag:s13] =	ssyncset.done $0x0  }
0x33: {  	[sflag:s13] =	ssyncadd.s32 $0xFFFFC000  }
0x34: {  	_ =	swait.ge [sflag:s13], $0x4000  }
0x35: {  	[sflag:s13] =	ssyncset.done $0x0  }
0x36: {  	[sflag:s13] =	ssyncadd.s32 $0xFFFFC000  }
0x37: {  	_ =	swait.ge [sflag:s13], $0x4000  }
.Ltmp1:
0x38: {  	[sflag:s13] =	ssyncset.done $0x0;
	(pc) =	sbr.rel @p0 .LBB2_1-.Ltmp1, $4  }
0x39: {  	[sflag:s13] =	ssyncadd.s32 $0xFFFFC000  }
0x3a: {  	[hbm4b:s14+s2] =	stream.linear.scatter [tilespmem:s7], [sflag:$0x2], $0x10000, $0x38;
	[tilespmem:$0x10200] =	vst v63  }
0x3b: {  	_ =	swait.ge [sflag:s3], $0x10000  }
0x3c: {  	[sflag:s3] =	ssyncset.done $0x0  }
.LBB2_2:
0x3d: {  	[sflag:s3] =	ssyncadd.s32 $0xFFFF0000  }
0x3e: {  	_ =	sfence.sel $0x180000  }
0x3f: {  	[bflag:$0x0] =	sbarrier.arrive $0xFFFF  }
0x40: {  	p0 =	sne.s32 s0, $0x0;
	_ =	strace $0x90000047  }
0x41: {  	s0 =	sadd.s32 @!p0 $0x100000, s1;
	[bflag:$0x2] =	sbarrier.arrive $0xFFFF  }
0x42: {  	[sflag:s0] =	ssyncadd.tile.s32 @!p0 $0x1;
	_ =	shalt  }
.Lfunc_end2:
_tile_overlayer_lowered:
.L_overlay_start_2:
0x43: {  	(tag) =	ssettag $0x2  }
0x44: {  	s0 =	rddreg [dreg:$0x0];
	s2 =	stileid.u32  }
0x45: {  	s1 =	rddreg [dreg:$0x1];
	p0 =	sne.s32 s2, $0x0  }
0x46: {  	s3 =	rddreg [dreg:$0x2];
	[bflag:$0x3] =	sbarrier.arrive $0xFFFF;
	s2 =	simm.s32 @!p0 $0x1C02  }
0x47: {  	[timem:s3], [sflag:s2] =	dma.local @!p0 [hbm:s0], s1  }
0x48: {  	s0 =	simm.s32 @!p0 $0x2  }
0x49: {  	_ =	swait.ge @!p0 [sflag:s0], s1  }
0x4a: {  	s1 =	ssub.s32 @!p0 $0x0, s1;
	[sflag:s0] =	ssyncset.done @!p0 $0x0  }
0x4b: {  	[sflag:s0] =	ssyncadd.s32 @!p0 s1  }
0x4c: {  	[bflag:$0x3] =	sbarrier.arrive $0xFFFF  }
0x4d: {  	_ =	shalt  }

</sc_bundles>
